<compile_context>
chip_gen: v7x
topology: tpu7x:2x2x1
jax: 0.10.2.dev20260603
libtpu: 0.0.44.dev20260713+nightly
codegen_flags: <defaults>
</compile_context>

<pallas_src>
import functools

import jax
import jax.numpy as jnp
from jax import lax
from jax.experimental import pallas as pl
from jax.experimental.pallas import tpu as pltpu
from jax.experimental.pallas import tpu_sc as plsc

DIM = 4096
NUM_EXPERTS = 64
EPSILON = 1e-06
BLOCK_N = 512
N_TOKENS = 8192
HALF = N_TOKENS // 2
NUM_SC = 2
NUM_SUBCORES = 16
NW = NUM_SC * NUM_SUBCORES
SC_CHUNK = HALF // NW


def _router_logits(x_ref, w_ref, b_ref):
    logits = jax.lax.dot_general(
        x_ref[:], w_ref[:], (((1,), (1,)), ((), ())),
        preferred_element_type=jnp.float32) + b_ref[:]
    m = jnp.max(logits, axis=1, keepdims=True)
    e = jnp.exp(logits - m)
    s = jnp.sum(e, axis=1, keepdims=True)
    idx = jnp.argmax(logits, axis=1)
    return s, idx


def _acc_denom(denom_ref, part):
    i = pl.program_id(0)

    @pl.when(i == 0)
    def _init():
        denom_ref[:] = part

    @pl.when(i > 0)
    def _acc():
        denom_ref[:] += part


def _router_a_block(x_ref, w_ref, b_ref, p_ref, idx_ref, denom_ref):
    s, idx = _router_logits(x_ref, w_ref, b_ref)
    p = 1.0 / s
    p_ref[:] = p.reshape(1, 1, BLOCK_N)
    idx_ref[:] = idx.astype(jnp.int32).reshape(1, 1, BLOCK_N)
    cols = jax.lax.broadcasted_iota(jnp.int32, (BLOCK_N, NUM_EXPERTS), 1)
    masked = jnp.where(cols == idx[:, None], p, 0.0)
    _acc_denom(denom_ref, jnp.sum(masked, axis=0, keepdims=True))


def _router_b_block(x_ref, w_ref, b_ref, rows_ref, denom_ref):
    s, idx = _router_logits(x_ref, w_ref, b_ref)
    cols = jax.lax.broadcasted_iota(jnp.int32, (BLOCK_N, NUM_EXPERTS), 1)
    masked = jnp.where(cols == idx[:, None], 1.0 / s, 0.0)
    rows_ref[:] = masked
    _acc_denom(denom_ref, jnp.sum(masked, axis=0, keepdims=True))


def _router_a(xf, W, b2):
    nblk = HALF // BLOCK_N
    return pl.pallas_call(
        _router_a_block,
        grid=(nblk,),
        in_specs=[
            pl.BlockSpec((BLOCK_N, DIM), lambda i: (i, 0)),
            pl.BlockSpec((NUM_EXPERTS, DIM), lambda i: (0, 0)),
            pl.BlockSpec((1, NUM_EXPERTS), lambda i: (0, 0)),
        ],
        out_specs=[
            pl.BlockSpec((1, 1, BLOCK_N), lambda i: (i, 0, 0)),
            pl.BlockSpec((1, 1, BLOCK_N), lambda i: (i, 0, 0)),
            pl.BlockSpec((1, NUM_EXPERTS), lambda i: (0, 0)),
        ],
        out_shape=[
            jax.ShapeDtypeStruct((nblk, 1, BLOCK_N), jnp.float32),
            jax.ShapeDtypeStruct((nblk, 1, BLOCK_N), jnp.int32),
            jax.ShapeDtypeStruct((1, NUM_EXPERTS), jnp.float32),
        ],
    )(xf, W, b2)


def _router_b(xf, W, b2):
    nblk = HALF // BLOCK_N
    return pl.pallas_call(
        _router_b_block,
        grid=(nblk,),
        in_specs=[
            pl.BlockSpec((BLOCK_N, DIM), lambda i: (i + nblk, 0)),
            pl.BlockSpec((NUM_EXPERTS, DIM), lambda i: (0, 0)),
            pl.BlockSpec((1, NUM_EXPERTS), lambda i: (0, 0)),
        ],
        out_specs=[
            pl.BlockSpec((BLOCK_N, NUM_EXPERTS), lambda i: (i, 0)),
            pl.BlockSpec((1, NUM_EXPERTS), lambda i: (0, 0)),
        ],
        out_shape=[
            jax.ShapeDtypeStruct((HALF, NUM_EXPERTS), jnp.float32),
            jax.ShapeDtypeStruct((1, NUM_EXPERTS), jnp.float32),
        ],
    )(xf, W, b2)


def _sc_rows(p_hbm, idx_hbm, out_hbm, pv, iv, rows):
    s_idx = lax.axis_index("s")
    c_idx = lax.axis_index("c")
    wid = s_idx * NUM_SC + c_idx
    zeros16 = jnp.zeros((16,), jnp.float32)

    base = wid * SC_CHUNK
    pltpu.sync_copy(p_hbm.at[pl.ds(base, SC_CHUNK)], pv.at[0])
    pltpu.sync_copy(idx_hbm.at[pl.ds(base, SC_CHUNK)], iv.at[0])

    def _zb(i, _):
        for k in range(16):
            rows[pl.ds(i * 256 + k * 16, 16)] = zeros16
        return 0

    lax.fori_loop(0, 32, _zb, 0)

    for j in range(8):
        ivec = iv[0, pl.ds(j * 16, 16)]
        pvec = pv[0, pl.ds(j * 16, 16)]
        tok = j * 16 + lax.broadcasted_iota(jnp.int32, (16,), 0)
        pos = tok * NUM_EXPERTS + ivec
        plsc.store_scatter(rows, [pos], pvec)

    pltpu.sync_copy(rows, out_hbm.at[pl.ds(base * NUM_EXPERTS,
                                           SC_CHUNK * NUM_EXPERTS)])


_sc_rows_call = functools.partial(
    pl.kernel,
    mesh=plsc.VectorSubcoreMesh(core_axis_name="c", subcore_axis_name="s"),
    out_type=jax.ShapeDtypeStruct((HALF * NUM_EXPERTS,), jnp.float32),
    scratch_types=[
        pltpu.VMEM((1, SC_CHUNK), jnp.float32),
        pltpu.VMEM((1, SC_CHUNK), jnp.int32),
        pltpu.VMEM((SC_CHUNK * NUM_EXPERTS,), jnp.float32),
    ],
    compiler_params=pltpu.CompilerParams(needs_layout_passes=False),
)(_sc_rows)


def _scale_block(ra_ref, rb_ref, da_ref, db_ref, out_ref):
    scale = float(N_TOKENS) / (da_ref[:] + db_ref[:] + EPSILON)
    out_ref[:HALF, :] = ra_ref[:] * scale
    out_ref[HALF:, :] = rb_ref[:] * scale


def _scale(rows_a, rows_b, da, db):
    return pl.pallas_call(
        _scale_block,
        in_specs=[
            pl.BlockSpec((HALF, NUM_EXPERTS), lambda: (0, 0)),
            pl.BlockSpec((HALF, NUM_EXPERTS), lambda: (0, 0)),
            pl.BlockSpec((1, NUM_EXPERTS), lambda: (0, 0)),
            pl.BlockSpec((1, NUM_EXPERTS), lambda: (0, 0)),
        ],
        out_specs=pl.BlockSpec((N_TOKENS, NUM_EXPERTS), lambda: (0, 0)),
        out_shape=jax.ShapeDtypeStruct((N_TOKENS, NUM_EXPERTS), jnp.float32),
    )(rows_a, rows_b, da, db)


def kernel(x, W, b):
    batch_size, seq_len, dim = x.shape
    n = batch_size * seq_len
    xf = x.reshape(n, dim)
    b2 = b.reshape(1, NUM_EXPERTS)
    p3, idx3, da = _router_a(xf, W, b2)
    rows_a = _sc_rows_call(p3.reshape(HALF), idx3.reshape(HALF))
    rows_b, db = _router_b(xf, W, b2)
    out = _scale(rows_a.reshape(HALF, NUM_EXPERTS), rows_b, da, db)
    return out.reshape(batch_size, seq_len, NUM_EXPERTS)

# --- scband reference (transcript-rebuilt; emitter-appended) ---
"""Pipeline reference for scband-switch-gate-74466142978820 (READ-ONLY COPY).

The authoritative reference and input builder live on the scoring server;
editing this copy changes nothing except your own understanding.
"""

import jax, jax.numpy as jnp
import numpy as np

DIM = 4096
NUM_EXPERTS = 64
CAPACITY_FACTOR = 1.0
EPSILON = 1e-06


def setup_inputs(seed: int = 0) -> dict:
    key = jax.random.key(seed)
    k1, k2, k3 = jax.random.split(key, 3)
    x = jax.random.normal(k1, (4, 2048, DIM), dtype=jnp.float32)
    # nn.Linear(dim, num_experts): weight [E, D], bias [E]
    bound = 1.0 / np.sqrt(DIM)
    W = jax.random.uniform(k2, (NUM_EXPERTS, DIM), dtype=jnp.float32, minval=-bound, maxval=bound)
    b = jax.random.uniform(k3, (NUM_EXPERTS,), dtype=jnp.float32, minval=-bound, maxval=bound)
    return {"x": x, "W": W, "b": b}


def reference(x, W, b):
    batch_size, seq_len, _ = x.shape
    xf = x.reshape(-1, x.shape[-1])  # [N, D]
    logits = xf @ W.T + b  # [N, E]
    gate_scores = jax.nn.softmax(logits, axis=-1)
    capacity = int(CAPACITY_FACTOR * xf.shape[0])
    top_k_scores, top_k_indices = jax.lax.top_k(gate_scores, 1)  # [N,1]
    rows = jnp.arange(gate_scores.shape[0])[:, None]
    mask = jnp.zeros_like(gate_scores).at[rows, top_k_indices].set(1.0)
    masked_gate_scores = gate_scores * mask
    denominators = masked_gate_scores.sum(axis=0, keepdims=True) + EPSILON
    gate_scores = masked_gate_scores / denominators * capacity
    return gate_scores.reshape(batch_size, seq_len, -1)

if __name__ == "__main__":
    import jax
    _d = setup_inputs()
    print(jax.jit(kernel)(*tuple(_d.values())))

</pallas_src>

<mosaic_0001>
#map = affine_map<(d0, d1) -> (0)>
module attributes {stable_mosaic.version = 14 : i64} {
  func.func @_sc_rows(%arg0: i32, %arg1: i32, %arg2: memref<4096xf32, #tpu.memory_space<hbm>>, %arg3: memref<4096xi32, #tpu.memory_space<hbm>>, %arg4: memref<262144xf32, #tpu.memory_space<hbm>>, %arg5: memref<1x128xf32, #tpu.memory_space<vmem>>, %arg6: memref<1x128xi32, #tpu.memory_space<vmem>>, %arg7: memref<8192xf32, #tpu.memory_space<vmem>>) attributes {dimension_semantics = [#tpu.dimension_semantics<core_parallel>, #tpu.dimension_semantics<subcore_parallel>], iteration_bounds = array<i64: 2, 16>, scalar_prefetch = 0 : i64, scratch_operands = 3 : i64, tpu.core_type = #tpu.core_type<sc_vector_subcore>, window_params = [{transform_indices = #map}, {transform_indices = #map}, {transform_indices = #map}]} {
    %mul3A = arith.constant 2 : i32
    %mul3A_0 = arith.muli %arg1, %mul3A : i32
    %add3A = arith.addi %mul3A_0, %arg0 : i32
    %broadcast_in_dim3A = arith.constant 0.000000e+00 : f32
    %broadcast_in_dim3A_1 = vector.broadcast %broadcast_in_dim3A : f32 to vector<16xf32>
    %mul3A_2 = arith.constant 128 : i32
    %mul3A_3 = arith.muli %add3A, %mul3A_2 : i32
    %run_scoped3A = arith.constant 0 : i32
    "tpu.region"() ({
      %run_scoped3A_139 = tpu.sem_alloc : memref<!tpu.dma_semaphore, #tpu.memory_space<semaphore_mem>>
      %dma_start3A = arith.constant 0 : i32
      %dma_start3A_140 = tpu.memref_slice %arg5[%run_scoped3A, %dma_start3A] : memref<1x128xf32, #tpu.memory_space<vmem>> -> memref<1x128xf32, #tpu.memory_space<vmem>>
      %dma_start3A_141 = tpu.memref_squeeze %dma_start3A_140 : memref<1x128xf32, #tpu.memory_space<vmem>> -> memref<128xf32, #tpu.memory_space<vmem>>
      %dma_start3A_142 = tpu.memref_slice %arg2[%mul3A_3] : memref<4096xf32, #tpu.memory_space<hbm>> -> memref<128xf32, #tpu.memory_space<hbm>>
      %dma_start3A_143 = arith.constant 0 : i32
      %dma_start3A_144 = tpu.memref_slice %arg5[%run_scoped3A, %dma_start3A_143] : memref<1x128xf32, #tpu.memory_space<vmem>> -> memref<1x128xf32, #tpu.memory_space<vmem>>
      %dma_start3A_145 = tpu.memref_squeeze %dma_start3A_144 : memref<1x128xf32, #tpu.memory_space<vmem>> -> memref<128xf32, #tpu.memory_space<vmem>>
      %dma_start3A_146 = tpu.memref_slice %arg2[%mul3A_3] : memref<4096xf32, #tpu.memory_space<hbm>> -> memref<128xf32, #tpu.memory_space<hbm>>
      tpu.enqueue_dma source(%dma_start3A_146 : memref<128xf32, #tpu.memory_space<hbm>>) target(%dma_start3A_145 : memref<128xf32, #tpu.memory_space<vmem>>) target_semaphore(%run_scoped3A_139 : memref<!tpu.dma_semaphore, #tpu.memory_space<semaphore_mem>>)
      %dma_wait3A = arith.constant 0 : i32
      %dma_wait3A_147 = tpu.memref_slice %arg5[%run_scoped3A, %dma_wait3A] : memref<1x128xf32, #tpu.memory_space<vmem>> -> memref<1x128xf32, #tpu.memory_space<vmem>>
      %dma_wait3A_148 = tpu.memref_squeeze %dma_wait3A_147 : memref<1x128xf32, #tpu.memory_space<vmem>> -> memref<128xf32, #tpu.memory_space<vmem>>
      %dma_wait3A_149 = tpu.memref_slice %arg2[%mul3A_3] : memref<4096xf32, #tpu.memory_space<hbm>> -> memref<128xf32, #tpu.memory_space<hbm>>
      %dma_wait3A_150 = arith.constant 0 : i32
      %dma_wait3A_151 = tpu.memref_slice %arg5[%run_scoped3A, %dma_wait3A_150] : memref<1x128xf32, #tpu.memory_space<vmem>> -> memref<1x128xf32, #tpu.memory_space<vmem>>
      %dma_wait3A_152 = tpu.memref_squeeze %dma_wait3A_151 : memref<1x128xf32, #tpu.memory_space<vmem>> -> memref<128xf32, #tpu.memory_space<vmem>>
      %dma_wait3A_153 = tpu.memref_slice %arg2[%mul3A_3] : memref<4096xf32, #tpu.memory_space<hbm>> -> memref<128xf32, #tpu.memory_space<hbm>>
      tpu.wait_dma2 semaphore(%run_scoped3A_139 : memref<!tpu.dma_semaphore, #tpu.memory_space<semaphore_mem>>) src(%dma_wait3A_153 : memref<128xf32, #tpu.memory_space<hbm>>) dst(%dma_wait3A_152 : memref<128xf32, #tpu.memory_space<vmem>>)
      tpu.yield
    }) : () -> ()
    %run_scoped3A_4 = arith.constant 0 : i32
    "tpu.region"() ({
      %run_scoped3A_139 = tpu.sem_alloc : memref<!tpu.dma_semaphore, #tpu.memory_space<semaphore_mem>>
      %dma_start3A = arith.constant 0 : i32
      %dma_start3A_140 = tpu.memref_slice %arg6[%run_scoped3A_4, %dma_start3A] : memref<1x128xi32, #tpu.memory_space<vmem>> -> memref<1x128xi32, #tpu.memory_space<vmem>>
      %dma_start3A_141 = tpu.memref_squeeze %dma_start3A_140 : memref<1x128xi32, #tpu.memory_space<vmem>> -> memref<128xi32, #tpu.memory_space<vmem>>
      %dma_start3A_142 = tpu.memref_slice %arg3[%mul3A_3] : memref<4096xi32, #tpu.memory_space<hbm>> -> memref<128xi32, #tpu.memory_space<hbm>>
      %dma_start3A_143 = arith.constant 0 : i32
      %dma_start3A_144 = tpu.memref_slice %arg6[%run_scoped3A_4, %dma_start3A_143] : memref<1x128xi32, #tpu.memory_space<vmem>> -> memref<1x128xi32, #tpu.memory_space<vmem>>
      %dma_start3A_145 = tpu.memref_squeeze %dma_start3A_144 : memref<1x128xi32, #tpu.memory_space<vmem>> -> memref<128xi32, #tpu.memory_space<vmem>>
      %dma_start3A_146 = tpu.memref_slice %arg3[%mul3A_3] : memref<4096xi32, #tpu.memory_space<hbm>> -> memref<128xi32, #tpu.memory_space<hbm>>
      tpu.enqueue_dma source(%dma_start3A_146 : memref<128xi32, #tpu.memory_space<hbm>>) target(%dma_start3A_145 : memref<128xi32, #tpu.memory_space<vmem>>) target_semaphore(%run_scoped3A_139 : memref<!tpu.dma_semaphore, #tpu.memory_space<semaphore_mem>>)
      %dma_wait3A = arith.constant 0 : i32
      %dma_wait3A_147 = tpu.memref_slice %arg6[%run_scoped3A_4, %dma_wait3A] : memref<1x128xi32, #tpu.memory_space<vmem>> -> memref<1x128xi32, #tpu.memory_space<vmem>>
      %dma_wait3A_148 = tpu.memref_squeeze %dma_wait3A_147 : memref<1x128xi32, #tpu.memory_space<vmem>> -> memref<128xi32, #tpu.memory_space<vmem>>
      %dma_wait3A_149 = tpu.memref_slice %arg3[%mul3A_3] : memref<4096xi32, #tpu.memory_space<hbm>> -> memref<128xi32, #tpu.memory_space<hbm>>
      %dma_wait3A_150 = arith.constant 0 : i32
      %dma_wait3A_151 = tpu.memref_slice %arg6[%run_scoped3A_4, %dma_wait3A_150] : memref<1x128xi32, #tpu.memory_space<vmem>> -> memref<1x128xi32, #tpu.memory_space<vmem>>
      %dma_wait3A_152 = tpu.memref_squeeze %dma_wait3A_151 : memref<1x128xi32, #tpu.memory_space<vmem>> -> memref<128xi32, #tpu.memory_space<vmem>>
      %dma_wait3A_153 = tpu.memref_slice %arg3[%mul3A_3] : memref<4096xi32, #tpu.memory_space<hbm>> -> memref<128xi32, #tpu.memory_space<hbm>>
      tpu.wait_dma2 semaphore(%run_scoped3A_139 : memref<!tpu.dma_semaphore, #tpu.memory_space<semaphore_mem>>) src(%dma_wait3A_153 : memref<128xi32, #tpu.memory_space<hbm>>) dst(%dma_wait3A_152 : memref<128xi32, #tpu.memory_space<vmem>>)
      tpu.yield
    }) : () -> ()
    %scan3A = arith.constant 0 : i32
    %scan3A_5 = arith.constant 0 : i32
    %scan3A_6 = arith.constant 32 : i32
    %scan3A_7 = arith.addi %scan3A_5, %scan3A_6 : i32
    %scan3A_8 = arith.constant 1 : i32
    %scan3A_9 = scf.for %scan3A_139 = %scan3A_5 to %scan3A_7 step %scan3A_8 iter_args(%scan3A_140 = %scan3A) -> (i32)  : i32 {
      %mul3A_141 = arith.constant 256 : i32
      %mul3A_142 = arith.muli %scan3A_139, %mul3A_141 : i32
      %add3A_143 = arith.constant 0 : i32
      %add3A_144 = arith.addi %mul3A_142, %add3A_143 : i32
      %swap3A = arith.index_cast %add3A_144 : i32 to index
      %swap3A_145 = tpu.vector_load %arg7[%swap3A] {strides = array<i32>} : memref<8192xf32, #tpu.memory_space<vmem>>, vector<16xf32>,
      tpu.vector_store %arg7[%swap3A], %broadcast_in_dim3A_1 {strides = array<i32>} : memref<8192xf32, #tpu.memory_space<vmem>>, vector<16xf32>,
      %mul3A_146 = arith.constant 256 : i32
      %mul3A_147 = arith.muli %scan3A_139, %mul3A_146 : i32
      %add3A_148 = arith.constant 16 : i32
      %add3A_149 = arith.addi %mul3A_147, %add3A_148 : i32
      %swap3A_150 = arith.index_cast %add3A_149 : i32 to index
      %swap3A_151 = tpu.vector_load %arg7[%swap3A_150] {strides = array<i32>} : memref<8192xf32, #tpu.memory_space<vmem>>, vector<16xf32>,
      tpu.vector_store %arg7[%swap3A_150], %broadcast_in_dim3A_1 {strides = array<i32>} : memref<8192xf32, #tpu.memory_space<vmem>>, vector<16xf32>,
      %mul3A_152 = arith.constant 256 : i32
      %mul3A_153 = arith.muli %scan3A_139, %mul3A_152 : i32
      %add3A_154 = arith.constant 32 : i32
      %add3A_155 = arith.addi %mul3A_153, %add3A_154 : i32
      %swap3A_156 = arith.index_cast %add3A_155 : i32 to index
      %swap3A_157 = tpu.vector_load %arg7[%swap3A_156] {strides = array<i32>} : memref<8192xf32, #tpu.memory_space<vmem>>, vector<16xf32>,
      tpu.vector_store %arg7[%swap3A_156], %broadcast_in_dim3A_1 {strides = array<i32>} : memref<8192xf32, #tpu.memory_space<vmem>>, vector<16xf32>,
      %mul3A_158 = arith.constant 256 : i32
      %mul3A_159 = arith.muli %scan3A_139, %mul3A_158 : i32
      %add3A_160 = arith.constant 48 : i32
      %add3A_161 = arith.addi %mul3A_159, %add3A_160 : i32
      %swap3A_162 = arith.index_cast %add3A_161 : i32 to index
      %swap3A_163 = tpu.vector_load %arg7[%swap3A_162] {strides = array<i32>} : memref<8192xf32, #tpu.memory_space<vmem>>, vector<16xf32>,
      tpu.vector_store %arg7[%swap3A_162], %broadcast_in_dim3A_1 {strides = array<i32>} : memref<8192xf32, #tpu.memory_space<vmem>>, vector<16xf32>,
      %mul3A_164 = arith.constant 256 : i32
      %mul3A_165 = arith.muli %scan3A_139, %mul3A_164 : i32
      %add3A_166 = arith.constant 64 : i32
      %add3A_167 = arith.addi %mul3A_165, %add3A_166 : i32
      %swap3A_168 = arith.index_cast %add3A_167 : i32 to index
      %swap3A_169 = tpu.vector_load %arg7[%swap3A_168] {strides = array<i32>} : memref<8192xf32, #tpu.memory_space<vmem>>, vector<16xf32>,
      tpu.vector_store %arg7[%swap3A_168], %broadcast_in_dim3A_1 {strides = array<i32>} : memref<8192xf32, #tpu.memory_space<vmem>>, vector<16xf32>,
      %mul3A_170 = arith.constant 256 : i32
      %mul3A_171 = arith.muli %scan3A_139, %mul3A_170 : i32
      %add3A_172 = arith.constant 80 : i32
      %add3A_173 = arith.addi %mul3A_171, %add3A_172 : i32
      %swap3A_174 = arith.index_cast %add3A_173 : i32 to index
      %swap3A_175 = tpu.vector_load %arg7[%swap3A_174] {strides = array<i32>} : memref<8192xf32, #tpu.memory_space<vmem>>, vector<16xf32>,
      tpu.vector_store %arg7[%swap3A_174], %broadcast_in_dim3A_1 {strides = array<i32>} : memref<8192xf32, #tpu.memory_space<vmem>>, vector<16xf32>,
      %mul3A_176 = arith.constant 256 : i32
      %mul3A_177 = arith.muli %scan3A_139, %mul3A_176 : i32
      %add3A_178 = arith.constant 96 : i32
      %add3A_179 = arith.addi %mul3A_177, %add3A_178 : i32
      %swap3A_180 = arith.index_cast %add3A_179 : i32 to index
      %swap3A_181 = tpu.vector_load %arg7[%swap3A_180] {strides = array<i32>} : memref<8192xf32, #tpu.memory_space<vmem>>, vector<16xf32>,
      tpu.vector_store %arg7[%swap3A_180], %broadcast_in_dim3A_1 {strides = array<i32>} : memref<8192xf32, #tpu.memory_space<vmem>>, vector<16xf32>,
      %mul3A_182 = arith.constant 256 : i32
      %mul3A_183 = arith.muli %scan3A_139, %mul3A_182 : i32
      %add3A_184 = arith.constant 112 : i32
      %add3A_185 = arith.addi %mul3A_183, %add3A_184 : i32
      %swap3A_186 = arith.index_cast %add3A_185 : i32 to index
      %swap3A_187 = tpu.vector_load %arg7[%swap3A_186] {strides = array<i32>} : memref<8192xf32, #tpu.memory_space<vmem>>, vector<16xf32>,
      tpu.vector_store %arg7[%swap3A_186], %broadcast_in_dim3A_1 {strides = array<i32>} : memref<8192xf32, #tpu.memory_space<vmem>>, vector<16xf32>,
      %mul3A_188 = arith.constant 256 : i32
      %mul3A_189 = arith.muli %scan3A_139, %mul3A_188 : i32
      %add3A_190 = arith.constant 128 : i32
      %add3A_191 = arith.addi %mul3A_189, %add3A_190 : i32
      %swap3A_192 = arith.index_cast %add3A_191 : i32 to index
      %swap3A_193 = tpu.vector_load %arg7[%swap3A_192] {strides = array<i32>} : memref<8192xf32, #tpu.memory_space<vmem>>, vector<16xf32>,
      tpu.vector_store %arg7[%swap3A_192], %broadcast_in_dim3A_1 {strides = array<i32>} : memref<8192xf32, #tpu.memory_space<vmem>>, vector<16xf32>,
      %mul3A_194 = arith.constant 256 : i32
      %mul3A_195 = arith.muli %scan3A_139, %mul3A_194 : i32
      %add3A_196 = arith.constant 144 : i32
      %add3A_197 = arith.addi %mul3A_195, %add3A_196 : i32
      %swap3A_198 = arith.index_cast %add3A_197 : i32 to index
      %swap3A_199 = tpu.vector_load %arg7[%swap3A_198] {strides = array<i32>} : memref<8192xf32, #tpu.memory_space<vmem>>, vector<16xf32>,
      tpu.vector_store %arg7[%swap3A_198], %broadcast_in_dim3A_1 {strides = array<i32>} : memref<8192xf32, #tpu.memory_space<vmem>>, vector<16xf32>,
      %mul3A_200 = arith.constant 256 : i32
      %mul3A_201 = arith.muli %scan3A_139, %mul3A_200 : i32
      %add3A_202 = arith.constant 160 : i32
      %add3A_203 = arith.addi %mul3A_201, %add3A_202 : i32
      %swap3A_204 = arith.index_cast %add3A_203 : i32 to index
      %swap3A_205 = tpu.vector_load %arg7[%swap3A_204] {strides = array<i32>} : memref<8192xf32, #tpu.memory_space<vmem>>, vector<16xf32>,
      tpu.vector_store %arg7[%swap3A_204], %broadcast_in_dim3A_1 {strides = array<i32>} : memref<8192xf32, #tpu.memory_space<vmem>>, vector<16xf32>,
      %mul3A_206 = arith.constant 256 : i32
      %mul3A_207 = arith.muli %scan3A_139, %mul3A_206 : i32
      %add3A_208 = arith.constant 176 : i32
      %add3A_209 = arith.addi %mul3A_207, %add3A_208 : i32
      %swap3A_210 = arith.index_cast %add3A_209 : i32 to index
      %swap3A_211 = tpu.vector_load %arg7[%swap3A_210] {strides = array<i32>} : memref<8192xf32, #tpu.memory_space<vmem>>, vector<16xf32>,
      tpu.vector_store %arg7[%swap3A_210], %broadcast_in_dim3A_1 {strides = array<i32>} : memref<8192xf32, #tpu.memory_space<vmem>>, vector<16xf32>,
      %mul3A_212 = arith.constant 256 : i32
      %mul3A_213 = arith.muli %scan3A_139, %mul3A_212 : i32
      %add3A_214 = arith.constant 192 : i32
      %add3A_215 = arith.addi %mul3A_213, %add3A_214 : i32
      %swap3A_216 = arith.index_cast %add3A_215 : i32 to index
      %swap3A_217 = tpu.vector_load %arg7[%swap3A_216] {strides = array<i32>} : memref<8192xf32, #tpu.memory_space<vmem>>, vector<16xf32>,
      tpu.vector_store %arg7[%swap3A_216], %broadcast_in_dim3A_1 {strides = array<i32>} : memref<8192xf32, #tpu.memory_space<vmem>>, vector<16xf32>,
      %mul3A_218 = arith.constant 256 : i32
      %mul3A_219 = arith.muli %scan3A_139, %mul3A_218 : i32
      %add3A_220 = arith.constant 208 : i32
      %add3A_221 = arith.addi %mul3A_219, %add3A_220 : i32
      %swap3A_222 = arith.index_cast %add3A_221 : i32 to index
      %swap3A_223 = tpu.vector_load %arg7[%swap3A_222] {strides = array<i32>} : memref<8192xf32, #tpu.memory_space<vmem>>, vector<16xf32>,
      tpu.vector_store %arg7[%swap3A_222], %broadcast_in_dim3A_1 {strides = array<i32>} : memref<8192xf32, #tpu.memory_space<vmem>>, vector<16xf32>,
      %mul3A_224 = arith.constant 256 : i32
      %mul3A_225 = arith.muli %scan3A_139, %mul3A_224 : i32
      %add3A_226 = arith.constant 224 : i32
      %add3A_227 = arith.addi %mul3A_225, %add3A_226 : i32
      %swap3A_228 = arith.index_cast %add3A_227 : i32 to index
      %swap3A_229 = tpu.vector_load %arg7[%swap3A_228] {strides = array<i32>} : memref<8192xf32, #tpu.memory_space<vmem>>, vector<16xf32>,
      tpu.vector_store %arg7[%swap3A_228], %broadcast_in_dim3A_1 {strides = array<i32>} : memref<8192xf32, #tpu.memory_space<vmem>>, vector<16xf32>,
      %mul3A_230 = arith.constant 256 : i32
      %mul3A_231 = arith.muli %scan3A_139, %mul3A_230 : i32
      %add3A_232 = arith.constant 240 : i32
      %add3A_233 = arith.addi %mul3A_231, %add3A_232 : i32
      %swap3A_234 = arith.index_cast %add3A_233 : i32 to index
      %swap3A_235 = tpu.vector_load %arg7[%swap3A_234] {strides = array<i32>} : memref<8192xf32, #tpu.memory_space<vmem>>, vector<16xf32>,
      tpu.vector_store %arg7[%swap3A_234], %broadcast_in_dim3A_1 {strides = array<i32>} : memref<8192xf32, #tpu.memory_space<vmem>>, vector<16xf32>,
      %scan3A_236 = arith.constant 0 : i32
      scf.yield %scan3A_236 : i32
    }
    %scan3A_10 = arith.constant 32 : i32
    %get3A = arith.constant 0 : i32
    %get3A_11 = arith.index_cast %get3A : i32 to index
    %get3A_12 = arith.constant 0 : index
    %get3A_13 = tpu.vector_load %arg6[%get3A_11, %get3A_12] {strides = array<i32>} : memref<1x128xi32, #tpu.memory_space<vmem>>, vector<16xi32>,
    %get3A_14 = arith.constant 0 : i32
    %get3A_15 = arith.index_cast %get3A_14 : i32 to index
    %get3A_16 = arith.constant 0 : index
    %get3A_17 = tpu.vector_load %arg5[%get3A_15, %get3A_16] {strides = array<i32>} : memref<1x128xf32, #tpu.memory_space<vmem>>, vector<16xf32>,
    %iota3A = tpu.iota {dimensions = array<i32: 0>} : vector<16xi32>
    %add3A_18 = arith.constant 0 : i32
    %add3A_19 = vector.broadcast %add3A_18 : i32 to vector<16xi32>
    %add3A_20 = arith.addi %add3A_19, %iota3A : vector<16xi32>
    %mul3A_21 = arith.constant 64 : i32
    %mul3A_22 = vector.broadcast %mul3A_21 : i32 to vector<16xi32>
    %mul3A_23 = arith.muli %add3A_20, %mul3A_22 : vector<16xi32>
    %add3A_24 = arith.addi %mul3A_23, %get3A_13 : vector<16xi32>
    tpu.vector_store_idx %arg7[%add3A_24], %get3A_17 : memref<8192xf32, #tpu.memory_space<vmem>>[vector<16xi32>], vector<16xf32>,
    %get3A_25 = arith.constant 0 : i32
    %get3A_26 = arith.index_cast %get3A_25 : i32 to index
    %get3A_27 = arith.constant 16 : index
    %get3A_28 = tpu.vector_load %arg6[%get3A_26, %get3A_27] {strides = array<i32>} : memref<1x128xi32, #tpu.memory_space<vmem>>, vector<16xi32>,
    %get3A_29 = arith.constant 0 : i32
    %get3A_30 = arith.index_cast %get3A_29 : i32 to index
    %get3A_31 = arith.constant 16 : index
    %get3A_32 = tpu.vector_load %arg5[%get3A_30, %get3A_31] {strides = array<i32>} : memref<1x128xf32, #tpu.memory_space<vmem>>, vector<16xf32>,
    %iota3A_33 = tpu.iota {dimensions = array<i32: 0>} : vector<16xi32>
    %add3A_34 = arith.constant 16 : i32
    %add3A_35 = vector.broadcast %add3A_34 : i32 to vector<16xi32>
    %add3A_36 = arith.addi %add3A_35, %iota3A_33 : vector<16xi32>
    %mul3A_37 = arith.constant 64 : i32
    %mul3A_38 = vector.broadcast %mul3A_37 : i32 to vector<16xi32>
    %mul3A_39 = arith.muli %add3A_36, %mul3A_38 : vector<16xi32>
    %add3A_40 = arith.addi %mul3A_39, %get3A_28 : vector<16xi32>
    tpu.vector_store_idx %arg7[%add3A_40], %get3A_32 : memref<8192xf32, #tpu.memory_space<vmem>>[vector<16xi32>], vector<16xf32>,
    %get3A_41 = arith.constant 0 : i32
    %get3A_42 = arith.index_cast %get3A_41 : i32 to index
    %get3A_43 = arith.constant 32 : index
    %get3A_44 = tpu.vector_load %arg6[%get3A_42, %get3A_43] {strides = array<i32>} : memref<1x128xi32, #tpu.memory_space<vmem>>, vector<16xi32>,
    %get3A_45 = arith.constant 0 : i32
    %get3A_46 = arith.index_cast %get3A_45 : i32 to index
    %get3A_47 = arith.constant 32 : index
    %get3A_48 = tpu.vector_load %arg5[%get3A_46, %get3A_47] {strides = array<i32>} : memref<1x128xf32, #tpu.memory_space<vmem>>, vector<16xf32>,
    %iota3A_49 = tpu.iota {dimensions = array<i32: 0>} : vector<16xi32>
    %add3A_50 = arith.constant 32 : i32
    %add3A_51 = vector.broadcast %add3A_50 : i32 to vector<16xi32>
    %add3A_52 = arith.addi %add3A_51, %iota3A_49 : vector<16xi32>
    %mul3A_53 = arith.constant 64 : i32
    %mul3A_54 = vector.broadcast %mul3A_53 : i32 to vector<16xi32>
    %mul3A_55 = arith.muli %add3A_52, %mul3A_54 : vector<16xi32>
    %add3A_56 = arith.addi %mul3A_55, %get3A_44 : vector<16xi32>
    tpu.vector_store_idx %arg7[%add3A_56], %get3A_48 : memref<8192xf32, #tpu.memory_space<vmem>>[vector<16xi32>], vector<16xf32>,
    %get3A_57 = arith.constant 0 : i32
    %get3A_58 = arith.index_cast %get3A_57 : i32 to index
    %get3A_59 = arith.constant 48 : index
    %get3A_60 = tpu.vector_load %arg6[%get3A_58, %get3A_59] {strides = array<i32>} : memref<1x128xi32, #tpu.memory_space<vmem>>, vector<16xi32>,
    %get3A_61 = arith.constant 0 : i32
    %get3A_62 = arith.index_cast %get3A_61 : i32 to index
    %get3A_63 = arith.constant 48 : index
    %get3A_64 = tpu.vector_load %arg5[%get3A_62, %get3A_63] {strides = array<i32>} : memref<1x128xf32, #tpu.memory_space<vmem>>, vector<16xf32>,
    %iota3A_65 = tpu.iota {dimensions = array<i32: 0>} : vector<16xi32>
    %add3A_66 = arith.constant 48 : i32
    %add3A_67 = vector.broadcast %add3A_66 : i32 to vector<16xi32>
    %add3A_68 = arith.addi %add3A_67, %iota3A_65 : vector<16xi32>
    %mul3A_69 = arith.constant 64 : i32
    %mul3A_70 = vector.broadcast %mul3A_69 : i32 to vector<16xi32>
    %mul3A_71 = arith.muli %add3A_68, %mul3A_70 : vector<16xi32>
    %add3A_72 = arith.addi %mul3A_71, %get3A_60 : vector<16xi32>
    tpu.vector_store_idx %arg7[%add3A_72], %get3A_64 : memref<8192xf32, #tpu.memory_space<vmem>>[vector<16xi32>], vector<16xf32>,
    %get3A_73 = arith.constant 0 : i32
    %get3A_74 = arith.index_cast %get3A_73 : i32 to index
    %get3A_75 = arith.constant 64 : index
    %get3A_76 = tpu.vector_load %arg6[%get3A_74, %get3A_75] {strides = array<i32>} : memref<1x128xi32, #tpu.memory_space<vmem>>, vector<16xi32>,
    %get3A_77 = arith.constant 0 : i32
    %get3A_78 = arith.index_cast %get3A_77 : i32 to index
    %get3A_79 = arith.constant 64 : index
    %get3A_80 = tpu.vector_load %arg5[%get3A_78, %get3A_79] {strides = array<i32>} : memref<1x128xf32, #tpu.memory_space<vmem>>, vector<16xf32>,
    %iota3A_81 = tpu.iota {dimensions = array<i32: 0>} : vector<16xi32>
    %add3A_82 = arith.constant 64 : i32
    %add3A_83 = vector.broadcast %add3A_82 : i32 to vector<16xi32>
    %add3A_84 = arith.addi %add3A_83, %iota3A_81 : vector<16xi32>
    %mul3A_85 = arith.constant 64 : i32
    %mul3A_86 = vector.broadcast %mul3A_85 : i32 to vector<16xi32>
    %mul3A_87 = arith.muli %add3A_84, %mul3A_86 : vector<16xi32>
    %add3A_88 = arith.addi %mul3A_87, %get3A_76 : vector<16xi32>
    tpu.vector_store_idx %arg7[%add3A_88], %get3A_80 : memref<8192xf32, #tpu.memory_space<vmem>>[vector<16xi32>], vector<16xf32>,
    %get3A_89 = arith.constant 0 : i32
    %get3A_90 = arith.index_cast %get3A_89 : i32 to index
    %get3A_91 = arith.constant 80 : index
    %get3A_92 = tpu.vector_load %arg6[%get3A_90, %get3A_91] {strides = array<i32>} : memref<1x128xi32, #tpu.memory_space<vmem>>, vector<16xi32>,
    %get3A_93 = arith.constant 0 : i32
    %get3A_94 = arith.index_cast %get3A_93 : i32 to index
    %get3A_95 = arith.constant 80 : index
    %get3A_96 = tpu.vector_load %arg5[%get3A_94, %get3A_95] {strides = array<i32>} : memref<1x128xf32, #tpu.memory_space<vmem>>, vector<16xf32>,
    %iota3A_97 = tpu.iota {dimensions = array<i32: 0>} : vector<16xi32>
    %add3A_98 = arith.constant 80 : i32
    %add3A_99 = vector.broadcast %add3A_98 : i32 to vector<16xi32>
    %add3A_100 = arith.addi %add3A_99, %iota3A_97 : vector<16xi32>
    %mul3A_101 = arith.constant 64 : i32
    %mul3A_102 = vector.broadcast %mul3A_101 : i32 to vector<16xi32>
    %mul3A_103 = arith.muli %add3A_100, %mul3A_102 : vector<16xi32>
    %add3A_104 = arith.addi %mul3A_103, %get3A_92 : vector<16xi32>
    tpu.vector_store_idx %arg7[%add3A_104], %get3A_96 : memref<8192xf32, #tpu.memory_space<vmem>>[vector<16xi32>], vector<16xf32>,
    %get3A_105 = arith.constant 0 : i32
    %get3A_106 = arith.index_cast %get3A_105 : i32 to index
    %get3A_107 = arith.constant 96 : index
    %get3A_108 = tpu.vector_load %arg6[%get3A_106, %get3A_107] {strides = array<i32>} : memref<1x128xi32, #tpu.memory_space<vmem>>, vector<16xi32>,
    %get3A_109 = arith.constant 0 : i32
    %get3A_110 = arith.index_cast %get3A_109 : i32 to index
    %get3A_111 = arith.constant 96 : index
    %get3A_112 = tpu.vector_load %arg5[%get3A_110, %get3A_111] {strides = array<i32>} : memref<1x128xf32, #tpu.memory_space<vmem>>, vector<16xf32>,
    %iota3A_113 = tpu.iota {dimensions = array<i32: 0>} : vector<16xi32>
    %add3A_114 = arith.constant 96 : i32
    %add3A_115 = vector.broadcast %add3A_114 : i32 to vector<16xi32>
    %add3A_116 = arith.addi %add3A_115, %iota3A_113 : vector<16xi32>
    %mul3A_117 = arith.constant 64 : i32
    %mul3A_118 = vector.broadcast %mul3A_117 : i32 to vector<16xi32>
    %mul3A_119 = arith.muli %add3A_116, %mul3A_118 : vector<16xi32>
    %add3A_120 = arith.addi %mul3A_119, %get3A_108 : vector<16xi32>
    tpu.vector_store_idx %arg7[%add3A_120], %get3A_112 : memref<8192xf32, #tpu.memory_space<vmem>>[vector<16xi32>], vector<16xf32>,
    %get3A_121 = arith.constant 0 : i32
    %get3A_122 = arith.index_cast %get3A_121 : i32 to index
    %get3A_123 = arith.constant 112 : index
    %get3A_124 = tpu.vector_load %arg6[%get3A_122, %get3A_123] {strides = array<i32>} : memref<1x128xi32, #tpu.memory_space<vmem>>, vector<16xi32>,
    %get3A_125 = arith.constant 0 : i32
    %get3A_126 = arith.index_cast %get3A_125 : i32 to index
    %get3A_127 = arith.constant 112 : index
    %get3A_128 = tpu.vector_load %arg5[%get3A_126, %get3A_127] {strides = array<i32>} : memref<1x128xf32, #tpu.memory_space<vmem>>, vector<16xf32>,
    %iota3A_129 = tpu.iota {dimensions = array<i32: 0>} : vector<16xi32>
    %add3A_130 = arith.constant 112 : i32
    %add3A_131 = vector.broadcast %add3A_130 : i32 to vector<16xi32>
    %add3A_132 = arith.addi %add3A_131, %iota3A_129 : vector<16xi32>
    %mul3A_133 = arith.constant 64 : i32
    %mul3A_134 = vector.broadcast %mul3A_133 : i32 to vector<16xi32>
    %mul3A_135 = arith.muli %add3A_132, %mul3A_134 : vector<16xi32>
    %add3A_136 = arith.addi %mul3A_135, %get3A_124 : vector<16xi32>
    tpu.vector_store_idx %arg7[%add3A_136], %get3A_128 : memref<8192xf32, #tpu.memory_space<vmem>>[vector<16xi32>], vector<16xf32>,
    %mul3A_137 = arith.constant 64 : i32
    %mul3A_138 = arith.muli %mul3A_3, %mul3A_137 : i32
    "tpu.region"() ({
      %run_scoped3A_139 = tpu.sem_alloc : memref<!tpu.dma_semaphore, #tpu.memory_space<semaphore_mem>>
      %dma_start3A = tpu.memref_slice %arg4[%mul3A_138] : memref<262144xf32, #tpu.memory_space<hbm>> -> memref<8192xf32, #tpu.memory_space<hbm>>
      %dma_start3A_140 = tpu.memref_slice %arg4[%mul3A_138] : memref<262144xf32, #tpu.memory_space<hbm>> -> memref<8192xf32, #tpu.memory_space<hbm>>
      tpu.enqueue_dma source(%arg7 : memref<8192xf32, #tpu.memory_space<vmem>>) target(%dma_start3A_140 : memref<8192xf32, #tpu.memory_space<hbm>>) target_semaphore(%run_scoped3A_139 : memref<!tpu.dma_semaphore, #tpu.memory_space<semaphore_mem>>)
      %dma_wait3A = tpu.memref_slice %arg4[%mul3A_138] : memref<262144xf32, #tpu.memory_space<hbm>> -> memref<8192xf32, #tpu.memory_space<hbm>>
      %dma_wait3A_141 = tpu.memref_slice %arg4[%mul3A_138] : memref<262144xf32, #tpu.memory_space<hbm>> -> memref<8192xf32, #tpu.memory_space<hbm>>
      tpu.wait_dma2 semaphore(%run_scoped3A_139 : memref<!tpu.dma_semaphore, #tpu.memory_space<semaphore_mem>>) src(%arg7 : memref<8192xf32, #tpu.memory_space<vmem>>) dst(%dma_wait3A_141 : memref<8192xf32, #tpu.memory_space<hbm>>)
      tpu.yield
    }) : () -> ()
    return
  }
}

module attributes {stable_mosaic.version = 14 : i64} {
  func.func @_router_b_block(%arg0: i32, %arg1: memref<512x4096xf32, #tpu.memory_space<vmem>>, %arg2: memref<64x4096xf32, #tpu.memory_space<vmem>>, %arg3: memref<1x64xf32, #tpu.memory_space<vmem>>, %arg4: memref<512x64xf32, #tpu.memory_space<vmem>>, %arg5: memref<1x64xf32, #tpu.memory_space<vmem>>) attributes {dimension_semantics = [#tpu.dimension_semantics<arbitrary>], iteration_bounds = array<i64: 8>, scalar_prefetch = 0 : i64, scratch_operands = 0 : i64, tpu.core_type = #tpu.core_type<tc>, window_params = [{transform_indices = @transform_0, window_bounds = array<i64: 512, 4096>}, {pipeline_mode = #tpu.pipeline_mode<synchronous>, transform_indices = @transform_1, window_bounds = array<i64: 64, 4096>}, {pipeline_mode = #tpu.pipeline_mode<synchronous>, transform_indices = @transform_2, window_bounds = array<i64: 1, 64>}, {transform_indices = @transform_3, window_bounds = array<i64: 512, 64>}, {pipeline_mode = #tpu.pipeline_mode<synchronous>, transform_indices = @transform_4, window_bounds = array<i64: 1, 64>}]} {
    %get3A = arith.constant 0 : index
    %get3A_0 = arith.constant 0 : index
    %get3A_1 = vector.load %arg1[%get3A, %get3A_0] : memref<512x4096xf32, #tpu.memory_space<vmem>>, vector<512x4096xf32>
    %get3A_2 = arith.constant 0 : index
    %get3A_3 = arith.constant 0 : index
    %get3A_4 = vector.load %arg2[%get3A_2, %get3A_3] : memref<64x4096xf32, #tpu.memory_space<vmem>>, vector<64x4096xf32>
    %dot_general3A = arith.constant dense<0.000000e+00> : vector<512x64xf32>
    %dot_general3A_5 = tpu.matmul %get3A_1, %get3A_4, %dot_general3A {dimension_numbers = #tpu.dot_dimension_numbers<[1], [1], [0], [0], [0, 0, 1, 0], [], []>, transpose_lhs_hint = false} : vector<512x4096xf32>, vector<64x4096xf32>, vector<512x64xf32> -> vector<512x64xf32>
    %get3A_6 = arith.constant 0 : index
    %get3A_7 = arith.constant 0 : index
    %get3A_8 = vector.load %arg3[%get3A_6, %get3A_7] : memref<1x64xf32, #tpu.memory_space<vmem>>, vector<1x64xf32>
    %add3A = vector.broadcast %get3A_8 : vector<1x64xf32> to vector<512x64xf32>
    %add3A_9 = arith.addf %dot_general3A_5, %add3A : vector<512x64xf32>
    %reduce_max3A = arith.constant dense<0xFF800000> : vector<512xf32>
    %reduce_max3A_10 = vector.multi_reduction <maximumf>, %add3A_9, %reduce_max3A [1] : vector<512x64xf32> to vector<512xf32>
    %broadcast_in_dim3A = vector.shape_cast %reduce_max3A_10 : vector<512xf32> to vector<512x1xf32>
    %sub3A = vector.broadcast %broadcast_in_dim3A : vector<512x1xf32> to vector<512x64xf32>
    %sub3A_11 = arith.subf %add3A_9, %sub3A : vector<512x64xf32>
    %exp3A = math.exp %sub3A_11 : vector<512x64xf32>
    %reduce_sum3A = arith.constant dense<0.000000e+00> : vector<512xf32>
    %reduce_sum3A_12 = vector.multi_reduction <add>, %exp3A, %reduce_sum3A [1] : vector<512x64xf32> to vector<512xf32>
    %broadcast_in_dim3A_13 = vector.shape_cast %reduce_sum3A_12 : vector<512xf32> to vector<512x1xf32>
    %argmax3A = tpu.reduce_index %add3A_9 {axis = 1 : i32, kind = #tpu.reduction_kind<arg_max>} : vector<512x64xf32> -> vector<512xi32>
    %iota3A = tpu.iota {dimensions = array<i32: 1>} : vector<512x64xi32>
    %broadcast_in_dim3A_14 = vector.shape_cast %argmax3A : vector<512xi32> to vector<512x1xi32>
    %eq3A = vector.broadcast %broadcast_in_dim3A_14 : vector<512x1xi32> to vector<512x64xi32>
    %eq3A_15 = arith.cmpi eq, %iota3A, %eq3A : vector<512x64xi32>
    %div3A = arith.constant 1.000000e+00 : f32
    %div3A_16 = vector.broadcast %div3A : f32 to vector<512x1xf32>
    %div3A_17 = arith.divf %div3A_16, %broadcast_in_dim3A_13 : vector<512x1xf32>
    %jit3A = arith.constant 0.000000e+00 : f32
    %broadcast_in_dim3A_18 = vector.shape_cast %div3A_17 : vector<512x1xf32> to vector<512x1xf32>
    %broadcast_in_dim3A_19 = vector.broadcast %broadcast_in_dim3A_18 : vector<512x1xf32> to vector<512x64xf32>
    %broadcast_in_dim3A_20 = vector.broadcast %jit3A : f32 to vector<512x64xf32>
    %select_n3A = arith.select %eq3A_15, %broadcast_in_dim3A_19, %broadcast_in_dim3A_20 : vector<512x64xi1>, vector<512x64xf32>
    %swap3A = arith.constant 0 : index
    %swap3A_21 = arith.constant 0 : index
    %swap3A_22 = vector.load %arg4[%swap3A, %swap3A_21] : memref<512x64xf32, #tpu.memory_space<vmem>>, vector<512x64xf32>
    tpu.vector_store %arg4[%swap3A, %swap3A_21], %select_n3A {strides = array<i32>} : memref<512x64xf32, #tpu.memory_space<vmem>>, vector<512x64xf32>,
    %reduce_sum3A_23 = arith.constant dense<0.000000e+00> : vector<64xf32>
    %reduce_sum3A_24 = vector.multi_reduction <add>, %select_n3A, %reduce_sum3A_23 [0] : vector<512x64xf32> to vector<64xf32>
    %broadcast_in_dim3A_25 = vector.shape_cast %reduce_sum3A_24 : vector<64xf32> to vector<1x64xf32>
    %eq3A_26 = arith.constant 0 : i32
    %eq3A_27 = arith.cmpi eq, %arg0, %eq3A_26 : i32
    %convert_element_type3A = arith.extui %eq3A_27 : i1 to i32
    %cond3A = arith.constant 0 : i32
    %cond3A_28 = arith.cmpi ne, %convert_element_type3A, %cond3A : i32
    scf.if %cond3A_28 {
      %swap3A_33 = arith.constant 0 : index
      %swap3A_34 = arith.constant 0 : index
      %swap3A_35 = vector.load %arg5[%swap3A_33, %swap3A_34] : memref<1x64xf32, #tpu.memory_space<vmem>>, vector<1x64xf32>
      tpu.vector_store %arg5[%swap3A_33, %swap3A_34], %broadcast_in_dim3A_25 {strides = array<i32>} : memref<1x64xf32, #tpu.memory_space<vmem>>, vector<1x64xf32>,
    } else {
    }
    %gt3A = arith.constant 0 : i32
    %gt3A_29 = arith.cmpi sgt, %arg0, %gt3A : i32
    %convert_element_type3A_30 = arith.extui %gt3A_29 : i1 to i32
    %cond3A_31 = arith.constant 0 : i32
    %cond3A_32 = arith.cmpi ne, %convert_element_type3A_30, %cond3A_31 : i32
    scf.if %cond3A_32 {
      %get3A_33 = arith.constant 0 : index
      %get3A_34 = arith.constant 0 : index
      %get3A_35 = vector.load %arg5[%get3A_33, %get3A_34] : memref<1x64xf32, #tpu.memory_space<vmem>>, vector<1x64xf32>
      %add3A_36 = arith.addf %get3A_35, %broadcast_in_dim3A_25 : vector<1x64xf32>
      %swap3A_37 = arith.constant 0 : index
      %swap3A_38 = arith.constant 0 : index
      %swap3A_39 = vector.load %arg5[%swap3A_37, %swap3A_38] : memref<1x64xf32, #tpu.memory_space<vmem>>, vector<1x64xf32>
      tpu.vector_store %arg5[%swap3A_37, %swap3A_38], %add3A_36 {strides = array<i32>} : memref<1x64xf32, #tpu.memory_space<vmem>>, vector<1x64xf32>,
    } else {
    }
    return
  }
  func.func @transform_0(%arg0: i32) -> (i32, i32) {
    %add3A = arith.constant 8 : i32
    %add3A_0 = arith.addi %arg0, %add3A : i32
    %c0_i32 = arith.constant 0 : i32
    %c0_i32_1 = arith.constant 0 : i32
    return %add3A_0, %c0_i32 : i32, i32
  }
  func.func @transform_1(%arg0: i32) -> (i32, i32) {
    %c0_i32 = arith.constant 0 : i32
    %c0_i32_0 = arith.constant 0 : i32
    %c0_i32_1 = arith.constant 0 : i32
    return %c0_i32, %c0_i32_0 : i32, i32
  }
  func.func @transform_2(%arg0: i32) -> (i32, i32) {
    %c0_i32 = arith.constant 0 : i32
    %c0_i32_0 = arith.constant 0 : i32
    %c0_i32_1 = arith.constant 0 : i32
    return %c0_i32, %c0_i32_0 : i32, i32
  }
  func.func @transform_3(%arg0: i32) -> (i32, i32) {
    %c0_i32 = arith.constant 0 : i32
    %c0_i32_0 = arith.constant 0 : i32
    return %arg0, %c0_i32 : i32, i32
  }
  func.func @transform_4(%arg0: i32) -> (i32, i32) {
    %c0_i32 = arith.constant 0 : i32
    %c0_i32_0 = arith.constant 0 : i32
    %c0_i32_1 = arith.constant 0 : i32
    return %c0_i32, %c0_i32_0 : i32, i32
  }
}

module attributes {stable_mosaic.version = 14 : i64} {
  func.func @_scale_block(%arg0: memref<4096x64xf32, #tpu.memory_space<vmem>>, %arg1: memref<4096x64xf32, #tpu.memory_space<vmem>>, %arg2: memref<1x64xf32, #tpu.memory_space<vmem>>, %arg3: memref<1x64xf32, #tpu.memory_space<vmem>>, %arg4: memref<8192x64xf32, #tpu.memory_space<vmem>>) attributes {dimension_semantics = [], scalar_prefetch = 0 : i64, scratch_operands = 0 : i64, tpu.core_type = #tpu.core_type<tc>} {
    %get3A = arith.constant 0 : index
    %get3A_0 = arith.constant 0 : index
    %get3A_1 = vector.load %arg2[%get3A, %get3A_0] : memref<1x64xf32, #tpu.memory_space<vmem>>, vector<1x64xf32>
    %get3A_2 = arith.constant 0 : index
    %get3A_3 = arith.constant 0 : index
    %get3A_4 = vector.load %arg3[%get3A_2, %get3A_3] : memref<1x64xf32, #tpu.memory_space<vmem>>, vector<1x64xf32>
    %add3A = arith.addf %get3A_1, %get3A_4 : vector<1x64xf32>
    %add3A_5 = arith.constant 9.99999997E-7 : f32
    %add3A_6 = vector.broadcast %add3A_5 : f32 to vector<1x64xf32>
    %add3A_7 = arith.addf %add3A, %add3A_6 : vector<1x64xf32>
    %div3A = arith.constant 8.192000e+03 : f32
    %div3A_8 = vector.broadcast %div3A : f32 to vector<1x64xf32>
    %div3A_9 = arith.divf %div3A_8, %add3A_7 : vector<1x64xf32>
    %get3A_10 = arith.constant 0 : index
    %get3A_11 = arith.constant 0 : index
    %get3A_12 = vector.load %arg0[%get3A_10, %get3A_11] : memref<4096x64xf32, #tpu.memory_space<vmem>>, vector<4096x64xf32>
    %mul3A = vector.broadcast %div3A_9 : vector<1x64xf32> to vector<4096x64xf32>
    %mul3A_13 = arith.mulf %get3A_12, %mul3A : vector<4096x64xf32>
    %swap3A = arith.constant 0 : index
    %swap3A_14 = arith.constant 0 : index
    %swap3A_15 = vector.load %arg4[%swap3A, %swap3A_14] : memref<8192x64xf32, #tpu.memory_space<vmem>>, vector<4096x64xf32>
    tpu.vector_store %arg4[%swap3A, %swap3A_14], %mul3A_13 {strides = array<i32>} : memref<8192x64xf32, #tpu.memory_space<vmem>>, vector<4096x64xf32>,
    %get3A_16 = arith.constant 0 : index
    %get3A_17 = arith.constant 0 : index
    %get3A_18 = vector.load %arg1[%get3A_16, %get3A_17] : memref<4096x64xf32, #tpu.memory_space<vmem>>, vector<4096x64xf32>
    %mul3A_19 = vector.broadcast %div3A_9 : vector<1x64xf32> to vector<4096x64xf32>
    %mul3A_20 = arith.mulf %get3A_18, %mul3A_19 : vector<4096x64xf32>
    %swap3A_21 = arith.constant 4096 : index
    %swap3A_22 = arith.constant 0 : index
    %swap3A_23 = vector.load %arg4[%swap3A_21, %swap3A_22] : memref<8192x64xf32, #tpu.memory_space<vmem>>, vector<4096x64xf32>
    tpu.vector_store %arg4[%swap3A_21, %swap3A_22], %mul3A_20 {strides = array<i32>} : memref<8192x64xf32, #tpu.memory_space<vmem>>, vector<4096x64xf32>,
    return
  }
}

module attributes {stable_mosaic.version = 14 : i64} {
  func.func @_router_a_block(%arg0: i32, %arg1: memref<512x4096xf32, #tpu.memory_space<vmem>>, %arg2: memref<64x4096xf32, #tpu.memory_space<vmem>>, %arg3: memref<1x64xf32, #tpu.memory_space<vmem>>, %arg4: memref<1x1x512xf32, #tpu.memory_space<vmem>>, %arg5: memref<1x1x512xi32, #tpu.memory_space<vmem>>, %arg6: memref<1x64xf32, #tpu.memory_space<vmem>>) attributes {dimension_semantics = [#tpu.dimension_semantics<arbitrary>], iteration_bounds = array<i64: 8>, scalar_prefetch = 0 : i64, scratch_operands = 0 : i64, tpu.core_type = #tpu.core_type<tc>, window_params = [{transform_indices = @transform_0, window_bounds = array<i64: 512, 4096>}, {pipeline_mode = #tpu.pipeline_mode<synchronous>, transform_indices = @transform_1, window_bounds = array<i64: 64, 4096>}, {pipeline_mode = #tpu.pipeline_mode<synchronous>, transform_indices = @transform_2, window_bounds = array<i64: 1, 64>}, {transform_indices = @transform_3, window_bounds = array<i64: 1, 1, 512>}, {transform_indices = @transform_4, window_bounds = array<i64: 1, 1, 512>}, {pipeline_mode = #tpu.pipeline_mode<synchronous>, transform_indices = @transform_5, window_bounds = array<i64: 1, 64>}]} {
    %get3A = arith.constant 0 : index
    %get3A_0 = arith.constant 0 : index
    %get3A_1 = vector.load %arg1[%get3A, %get3A_0] : memref<512x4096xf32, #tpu.memory_space<vmem>>, vector<512x4096xf32>
    %get3A_2 = arith.constant 0 : index
    %get3A_3 = arith.constant 0 : index
    %get3A_4 = vector.load %arg2[%get3A_2, %get3A_3] : memref<64x4096xf32, #tpu.memory_space<vmem>>, vector<64x4096xf32>
    %dot_general3A = arith.constant dense<0.000000e+00> : vector<512x64xf32>
    %dot_general3A_5 = tpu.matmul %get3A_1, %get3A_4, %dot_general3A {dimension_numbers = #tpu.dot_dimension_numbers<[1], [1], [0], [0], [0, 0, 1, 0], [], []>, transpose_lhs_hint = false} : vector<512x4096xf32>, vector<64x4096xf32>, vector<512x64xf32> -> vector<512x64xf32>
    %get3A_6 = arith.constant 0 : index
    %get3A_7 = arith.constant 0 : index
    %get3A_8 = vector.load %arg3[%get3A_6, %get3A_7] : memref<1x64xf32, #tpu.memory_space<vmem>>, vector<1x64xf32>
    %add3A = vector.broadcast %get3A_8 : vector<1x64xf32> to vector<512x64xf32>
    %add3A_9 = arith.addf %dot_general3A_5, %add3A : vector<512x64xf32>
    %reduce_max3A = arith.constant dense<0xFF800000> : vector<512xf32>
    %reduce_max3A_10 = vector.multi_reduction <maximumf>, %add3A_9, %reduce_max3A [1] : vector<512x64xf32> to vector<512xf32>
    %broadcast_in_dim3A = vector.shape_cast %reduce_max3A_10 : vector<512xf32> to vector<512x1xf32>
    %sub3A = vector.broadcast %broadcast_in_dim3A : vector<512x1xf32> to vector<512x64xf32>
    %sub3A_11 = arith.subf %add3A_9, %sub3A : vector<512x64xf32>
    %exp3A = math.exp %sub3A_11 : vector<512x64xf32>
    %reduce_sum3A = arith.constant dense<0.000000e+00> : vector<512xf32>
    %reduce_sum3A_12 = vector.multi_reduction <add>, %exp3A, %reduce_sum3A [1] : vector<512x64xf32> to vector<512xf32>
    %broadcast_in_dim3A_13 = vector.shape_cast %reduce_sum3A_12 : vector<512xf32> to vector<512x1xf32>
    %argmax3A = tpu.reduce_index %add3A_9 {axis = 1 : i32, kind = #tpu.reduction_kind<arg_max>} : vector<512x64xf32> -> vector<512xi32>
    %div3A = arith.constant 1.000000e+00 : f32
    %div3A_14 = vector.broadcast %div3A : f32 to vector<512x1xf32>
    %div3A_15 = arith.divf %div3A_14, %broadcast_in_dim3A_13 : vector<512x1xf32>
    %reshape3A = vector.shape_cast %div3A_15 : vector<512x1xf32> to vector<1x1x512xf32>
    %swap3A = arith.constant 0 : index
    %swap3A_16 = arith.constant 0 : index
    %swap3A_17 = arith.constant 0 : index
    %swap3A_18 = vector.load %arg4[%swap3A, %swap3A_16, %swap3A_17] : memref<1x1x512xf32, #tpu.memory_space<vmem>>, vector<1x1x512xf32>
    tpu.vector_store %arg4[%swap3A, %swap3A_16, %swap3A_17], %reshape3A {strides = array<i32>} : memref<1x1x512xf32, #tpu.memory_space<vmem>>, vector<1x1x512xf32>,
    %reshape3A_19 = vector.shape_cast %argmax3A : vector<512xi32> to vector<1x1x512xi32>
    %swap3A_20 = arith.constant 0 : index
    %swap3A_21 = arith.constant 0 : index
    %swap3A_22 = arith.constant 0 : index
    %swap3A_23 = vector.load %arg5[%swap3A_20, %swap3A_21, %swap3A_22] : memref<1x1x512xi32, #tpu.memory_space<vmem>>, vector<1x1x512xi32>
    tpu.vector_store %arg5[%swap3A_20, %swap3A_21, %swap3A_22], %reshape3A_19 {strides = array<i32>} : memref<1x1x512xi32, #tpu.memory_space<vmem>>, vector<1x1x512xi32>,
    %iota3A = tpu.iota {dimensions = array<i32: 1>} : vector<512x64xi32>
    %broadcast_in_dim3A_24 = vector.shape_cast %argmax3A : vector<512xi32> to vector<512x1xi32>
    %eq3A = vector.broadcast %broadcast_in_dim3A_24 : vector<512x1xi32> to vector<512x64xi32>
    %eq3A_25 = arith.cmpi eq, %iota3A, %eq3A : vector<512x64xi32>
    %jit3A = arith.constant 0.000000e+00 : f32
    %broadcast_in_dim3A_26 = vector.shape_cast %div3A_15 : vector<512x1xf32> to vector<512x1xf32>
    %broadcast_in_dim3A_27 = vector.broadcast %broadcast_in_dim3A_26 : vector<512x1xf32> to vector<512x64xf32>
    %broadcast_in_dim3A_28 = vector.broadcast %jit3A : f32 to vector<512x64xf32>
    %select_n3A = arith.select %eq3A_25, %broadcast_in_dim3A_27, %broadcast_in_dim3A_28 : vector<512x64xi1>, vector<512x64xf32>
    %reduce_sum3A_29 = arith.constant dense<0.000000e+00> : vector<64xf32>
    %reduce_sum3A_30 = vector.multi_reduction <add>, %select_n3A, %reduce_sum3A_29 [0] : vector<512x64xf32> to vector<64xf32>
    %broadcast_in_dim3A_31 = vector.shape_cast %reduce_sum3A_30 : vector<64xf32> to vector<1x64xf32>
    %eq3A_32 = arith.constant 0 : i32
    %eq3A_33 = arith.cmpi eq, %arg0, %eq3A_32 : i32
    %convert_element_type3A = arith.extui %eq3A_33 : i1 to i32
    %cond3A = arith.constant 0 : i32
    %cond3A_34 = arith.cmpi ne, %convert_element_type3A, %cond3A : i32
    scf.if %cond3A_34 {
      %swap3A_39 = arith.constant 0 : index
      %swap3A_40 = arith.constant 0 : index
      %swap3A_41 = vector.load %arg6[%swap3A_39, %swap3A_40] : memref<1x64xf32, #tpu.memory_space<vmem>>, vector<1x64xf32>
      tpu.vector_store %arg6[%swap3A_39, %swap3A_40], %broadcast_in_dim3A_31 {strides = array<i32>} : memref<1x64xf32, #tpu.memory_space<vmem>>, vector<1x64xf32>,
    } else {
    }
    %gt3A = arith.constant 0 : i32
    %gt3A_35 = arith.cmpi sgt, %arg0, %gt3A : i32
    %convert_element_type3A_36 = arith.extui %gt3A_35 : i1 to i32
    %cond3A_37 = arith.constant 0 : i32
    %cond3A_38 = arith.cmpi ne, %convert_element_type3A_36, %cond3A_37 : i32
    scf.if %cond3A_38 {
      %get3A_39 = arith.constant 0 : index
      %get3A_40 = arith.constant 0 : index
      %get3A_41 = vector.load %arg6[%get3A_39, %get3A_40] : memref<1x64xf32, #tpu.memory_space<vmem>>, vector<1x64xf32>
      %add3A_42 = arith.addf %get3A_41, %broadcast_in_dim3A_31 : vector<1x64xf32>
      %swap3A_43 = arith.constant 0 : index
      %swap3A_44 = arith.constant 0 : index
      %swap3A_45 = vector.load %arg6[%swap3A_43, %swap3A_44] : memref<1x64xf32, #tpu.memory_space<vmem>>, vector<1x64xf32>
      tpu.vector_store %arg6[%swap3A_43, %swap3A_44], %add3A_42 {strides = array<i32>} : memref<1x64xf32, #tpu.memory_space<vmem>>, vector<1x64xf32>,
    } else {
    }
    return
  }
  func.func @transform_0(%arg0: i32) -> (i32, i32) {
    %c0_i32 = arith.constant 0 : i32
    %c0_i32_0 = arith.constant 0 : i32
    return %arg0, %c0_i32 : i32, i32
  }
  func.func @transform_1(%arg0: i32) -> (i32, i32) {
    %c0_i32 = arith.constant 0 : i32
    %c0_i32_0 = arith.constant 0 : i32
    %c0_i32_1 = arith.constant 0 : i32
    return %c0_i32, %c0_i32_0 : i32, i32
  }
  func.func @transform_2(%arg0: i32) -> (i32, i32) {
    %c0_i32 = arith.constant 0 : i32
    %c0_i32_0 = arith.constant 0 : i32
    %c0_i32_1 = arith.constant 0 : i32
    return %c0_i32, %c0_i32_0 : i32, i32
  }
  func.func @transform_3(%arg0: i32) -> (i32, i32, i32) {
    %c0_i32 = arith.constant 0 : i32
    %c0_i32_0 = arith.constant 0 : i32
    %c0_i32_1 = arith.constant 0 : i32
    return %arg0, %c0_i32, %c0_i32_0 : i32, i32, i32
  }
  func.func @transform_4(%arg0: i32) -> (i32, i32, i32) {
    %c0_i32 = arith.constant 0 : i32
    %c0_i32_0 = arith.constant 0 : i32
    %c0_i32_1 = arith.constant 0 : i32
    return %arg0, %c0_i32, %c0_i32_0 : i32, i32, i32
  }
  func.func @transform_5(%arg0: i32) -> (i32, i32) {
    %c0_i32 = arith.constant 0 : i32
    %c0_i32_0 = arith.constant 0 : i32
    %c0_i32_1 = arith.constant 0 : i32
    return %c0_i32, %c0_i32_0 : i32, i32
  }
}

</mosaic_0001>

<sc_bundles>
// kernel: kernel.6.cloned.1.call-start
scs
__scs_entry_jumppad:
0x0: {  	(pc) =	sbr.rel $0x88, $3  }
0x1: {  	(tag) =	ssettag $0x0;
	lr =	simm.s32 $0x1  }
0x2: {  	[smem:$0x3F9E] =	sst lr;
	_ =	strace $0xD0000000  }
0x3: {  	_ = 	snop  }
0x4: {  	_ = 	snop  }
0x5: {  	_ = 	snop  }
0x6: {  	_ = 	snop  }
0x7: {  	_ = 	snop  }
__scs_overlays_trampoline_lowered:
0x8: {  	[smem:$0x3FAD] =	sst s0  }
0x9: {  	[smem:$0x3FAE] =	sst s1  }
0xa: {  	[smem:$0x3FAF] =	sst s2  }
0xb: {  	[smem:$0x3FB0] =	sst s3  }
0xc: {  	[smem:$0x3FB1] =	sst s4  }
0xd: {  	[smem:$0x3FB2] =	sst s5  }
0xe: {  	[smem:$0x3FB3] =	sst s6  }
0xf: {  	[smem:$0x3FB4] =	sst s7  }
0x10: {  	[smem:$0x3FB5] =	sst s8  }
0x11: {  	[smem:$0x3FB6] =	sst s9;
	s0 =	simm.s32 @!p0 $0x0  }
0x12: {  	s1 =	sld [smem:$0x3F9C];
	s0 =	simm.s32 @p0 $0x1  }
0x13: {  	[smem:$0x3FB7] =	sst s0;
	s0 =	simm.s32 @!p1 $0x0  }
0x14: {  	s2 =	sld [smem:$0x3F9B];
	s0 =	simm.s32 @p1 $0x1  }
0x15: {  	[smem:$0x3FB8] =	sst s0;
	s0 =	simm.s32 @!p2 $0x0  }
0x16: {  	s3 =	sld [smem:$0x3FDB];
	s0 =	simm.s32 @p2 $0x1  }
0x17: {  	s4 =	simm.s32 $0x1BF5;
	[smem:$0x3FBA] =	sst s0  }
0x18: {  	s0 =	sld [smem:$0x3F9D];
	_ =	swait.ge [sflag:s4], $0x0  }
0x19: {  	s7 =	sld [smem:$0x3F9E]  }
0x1a: {  	s8 =	sadd.s32 $0xFFFFE003, lr  }
0x1b: {  	s9 =	sadd.s32 $0xFFFFFEF7, lr;
	s5 =	simm.s32 $0xFFFFFFFF;
	p2 =	slt.u32 s8, $0xFFFFF086  }
0x1c: {  	p1 =	slt.u32 s9, $0xF7A;
	s5 =	simm.s32 @!p2 $0x0  }
0x1d: {  	s5 =	simm.s32 @p1 $0x1;
	p0 =	seq.s32 s7, s2  }
0x1e: {  	s7 =	smul.u32 @!p0 $0xF7A, s2;
	p2 =	seq.s32 @!p0 s5, $0x0  }
0x1f: {  	s9 =	smul.u32 $0xF7A, s1;
	s8 =	simm.s32 @!p0 $0x1BF5;
	p2 =	por !p2, p0  }
0x20: {  	[sflag:s8] =	ssyncset.s32 @!p0 $0xFFFFF086;
	s6 =	sadd.s32 @!p0 s3, s7;
	s7 =	simm.s32 @!p0 $0x108  }
0x21: {  	s3 =	sadd.s32 s3, s9;
	s6 =	sadd.s32 @!p0 $0x88, s6;
	s7 =	simm.s32 @p2 $0x1082  }
0x22: {  	[simem:s7], [sflag:s8] =	dma.local @!p0 [hbm:s6], $0xF7A  }
0x23: {  	s9 =	sor.u32 $0xD0000000, s2;
	s6 =	simm.s32 $0x108;
	_ =	swait.ge @!p0 [sflag:s8], $0x0  }
0x24: {  	s3 =	sadd.s32 $0x88, s3;
	s6 =	simm.s32 @!p1 $0x1082;
	[sflag:s4] =	ssyncset.s32 $0xFFFFF086  }
0x25: {  	[simem:s6], [sflag:s4] =	dma.local [hbm:s3], $0xF7A  }
0x26: {  	[smem:$0x3F9E] =	sst s1;
	(tag) =	ssettag s2;
	_ =	strace s9  }
0x27: {  	s1 =	sld [smem:$0x3FAE]  }
0x28: {  	s2 =	sld [smem:$0x3FAF]  }
0x29: {  	s4 =	sld [smem:$0x3FB1]  }
0x2a: {  	p0 =	seq.s32 s5, $0x0;
	s5 =	sld [smem:$0x3FB2]  }
0x2b: {  	s6 =	sld [smem:$0x3FB3]  }
0x2c: {  	s7 =	sld [smem:$0x3FB4]  }
0x2d: {  	s3 =	simm.s32 $0x108;
	s8 =	sld [smem:$0x3FB5]  }
0x2e: {  	s3 =	simm.s32 @!p0 $0x1082;
	s9 =	sld [smem:$0x3FB6]  }
0x2f: {  	lr =	sadd.s32 s0, s3;
	s0 =	sld [smem:$0x3FAD]  }
0x30: {  	s3 =	sld [smem:$0x3FB0]  }
0x31: {  	[smem:$0x3FB9] =	sst s10  }
0x32: {  	s10 =	sld [smem:$0x3FB7];
	_ =	sdelay $0x3  }
0x33: {  	p0 =	seq.s32 s10, $0x1;
	s10 =	sld [smem:$0x3FB9];
	_ =	sdelay $0x3  }
0x34: {  	[smem:$0x3FB9] =	sst s10  }
0x35: {  	s10 =	sld [smem:$0x3FB8];
	_ =	sdelay $0x3  }
0x36: {  	p1 =	seq.s32 s10, $0x1;
	s10 =	sld [smem:$0x3FB9];
	_ =	sdelay $0x3  }
0x37: {  	[smem:$0x3FB9] =	sst s10  }
0x38: {  	s10 =	sld [smem:$0x3FBA]  }
0x39: {  	_ = 	snop;
	(pc) =	sbr.ind lr, $3  }
0x3a: {  	_ = 	snop  }
0x3b: {  	_ = 	snop  }
0x3c: {  	p2 =	seq.s32 s10, $0x1;
	s10 =	sld [smem:$0x3FB9]  }
0x3d: {  	_ =	shalt  }
0x3e: {  	_ =	shalt  }
0x3f: {  	_ =	shalt  }
0x40: {  	_ =	shalt  }
0x41: {  	_ =	shalt  }
0x42: {  	_ =	shalt  }
0x43: {  	_ =	shalt  }
0x44: {  	_ =	shalt  }
0x45: {  	_ =	shalt  }
0x46: {  	_ =	shalt  }
0x47: {  	_ =	shalt  }
0x48: {  	_ =	shalt  }
0x49: {  	_ =	shalt  }
0x4a: {  	_ =	shalt  }
0x4b: {  	_ =	shalt  }
0x4c: {  	_ =	shalt  }
0x4d: {  	_ =	shalt  }
0x4e: {  	_ =	shalt  }
0x4f: {  	_ =	shalt  }
0x50: {  	_ =	shalt  }
0x51: {  	_ =	shalt  }
0x52: {  	_ =	shalt  }
0x53: {  	_ =	shalt  }
0x54: {  	_ =	shalt  }
0x55: {  	_ =	shalt  }
0x56: {  	_ =	shalt  }
0x57: {  	_ =	shalt  }
0x58: {  	_ =	shalt  }
0x59: {  	_ =	shalt  }
0x5a: {  	_ =	shalt  }
0x5b: {  	_ =	shalt  }
0x5c: {  	_ =	shalt  }
0x5d: {  	_ =	shalt  }
0x5e: {  	_ =	shalt  }
0x5f: {  	_ =	shalt  }
0x60: {  	_ =	shalt  }
0x61: {  	_ =	shalt  }
0x62: {  	_ =	shalt  }
0x63: {  	_ =	shalt  }
0x64: {  	_ =	shalt  }
0x65: {  	_ =	shalt  }
0x66: {  	_ =	shalt  }
0x67: {  	_ =	shalt  }
0x68: {  	_ =	shalt  }
0x69: {  	_ =	shalt  }
0x6a: {  	_ =	shalt  }
0x6b: {  	_ =	shalt  }
0x6c: {  	_ =	shalt  }
0x6d: {  	_ =	shalt  }
0x6e: {  	_ =	shalt  }
0x6f: {  	_ =	shalt  }
0x70: {  	_ =	shalt  }
0x71: {  	_ =	shalt  }
0x72: {  	_ =	shalt  }
0x73: {  	_ =	shalt  }
0x74: {  	_ =	shalt  }
0x75: {  	_ =	shalt  }
0x76: {  	_ =	shalt  }
0x77: {  	_ =	shalt  }
0x78: {  	_ =	shalt  }
0x79: {  	_ =	shalt  }
0x7a: {  	_ =	shalt  }
0x7b: {  	_ =	shalt  }
0x7c: {  	_ =	shalt  }
0x7d: {  	_ =	shalt  }
0x7e: {  	_ =	shalt  }
0x7f: {  	_ =	shalt  }
0x80: {  	_ =	shalt  }
0x81: {  	_ =	shalt  }
0x82: {  	_ =	shalt  }
0x83: {  	_ =	shalt  }
0x84: {  	_ =	shalt  }
0x85: {  	_ =	shalt  }
0x86: {  	_ =	shalt  }
0x87: {  	_ =	shalt  }
.Lfunc_end0:
.L_simem_size_0:
called_computation_lowered:
.L_overlay_start_0:
0x88: {  	s2 =	sld [smem:$0x3FD9]  }
0x89: {  	s3 =	sld [smem:$0x3FFE];
	_ =	sdelay $0x1  }
0x8a: {  	s1 =	srdreg.scid  }
0x8b: {  	s0 =	sand.u32 $0x1, s1  }
0x8c: {  	s17 =	sshll.u32 s0, $0xA;
	s2 =	sadd.s32 s3, s2  }
0x8d: {  	s2 =	sadd.s32 s2, s17  }
0x8e: {  	[smem:$0x3FC5] =	sst s2  }
0x8f: {  	_ = 	snop  }
0x90: {  	s2 =	sld [smem:$0x3FD0];
	(tm) =	ssettm $0x1  }
0x91: {  	s18 =	sld [smem:$0x3FFB];
	_ =	sdelay $0x3  }
0x92: {  	_ =	strace s18  }
0x93: {  	s3 =	sld [smem:$0x3FFC];
	_ =	sdelay $0x3  }
0x94: {  	_ =	strace s3  }
0x95: {  	s3 =	sld [smem:$0x3FFD];
	_ =	sdelay $0x3  }
0x96: {  	_ =	strace s3  }
0x97: {  	_ =	strace $0x8FFFFFFF  }
0x98: {  	s19 =	sld [smem:$0x3FDB];
	_ =	sdelay $0x1  }
0x99: {  	s4 =	simm.s32 $_scs_section_size  }
0x9a: {  	s5 =	simm.s32 $_size__tile_overlayer_lowered;
	s6 =	simm.s32 $_tile_overlayer_lowered  }
0x9b: {  	s22 =	simm.s32 $0x1BFF;
	s21 =	sshll.u32 s6, $0x1;
	s3 =	sadd.s32 s4, s19  }
0x9c: {  	s7 =	simm.s32 $0x0;
	s20 =	sshll.u32 s5, $0x1;
	s5 =	sadd.s32 s21, s3  }
0x9d: {  	[timem:s7], [sflag:s22] =	dma.local [hbm:s5], s20  }
0x9e: {  	_ =	swait.ge [sflag:s22], s20  }
0x9f: {  	s4 =	ssub.s32 $0x0, s20;
	[sflag:s22] =	ssyncset.done $0x0  }
0xa0: {  	[sflag:s22] =	ssyncadd.s32 s4;
	_ =	sdelay $0x1  }
0xa1: {  	s23 =	simm.s32 $0x1B8B  }
0xa2: {  	_ =	swait.ge [sflag:s23], $0x1  }
0xa3: {  	[sflag:s23] =	ssyncset.done $0x0  }
0xa4: {  	s25 =	simm.s32 $0x1B8E;
	s24 =	sld [smem:$0x3FFE];
	[sflag:s23] =	ssyncadd.s32 $0xFFFFFFFF  }
0xa5: {  	s26 =	simm.s32 $execute0_lowered;
	[smem:$0x3FD2] =	sst s25  }
0xa6: {  	s5 =	sshll.u32 s26, $0x1;
	_ =	strace $0x80000046;
	[dreg:$0x1] =	wrdreg $0xFFFFFFFF  }
0xa7: {  	s28 =	simm.s32 $_size_execute0_lowered;
	s3 =	sadd.s32 s3, s5;
	[dreg:$0x0] =	wrdreg $0x0  }
0xa8: {  	s5 =	sshll.u32 s28, $0x1;
	[dreg:$0x2] =	wrdreg s3  }
0xa9: {  	[dreg:$0x3] =	wrdreg s5  }
0xaa: {  	[dreg:$0x4] =	wrdreg $0xC0  }
0xab: {  	_ =	task [dreg:s7], $0x5FFFF  }
0xac: {  	[dreg:$0x1] =	wrdreg $0xFFFFFFFF  }
0xad: {  	[dreg:$0x0] =	wrdreg $0x60  }
0xae: {  	[dreg:$0x2] =	wrdreg s24  }
0xaf: {  	[dreg:$0x3] =	wrdreg s2  }
0xb0: {  	[dreg:$0x4] =	wrdreg $0x9  }
0xb1: {  	_ =	task.clear_ibuf [dreg:s7], $0x5FFFF;
	_ =	strace $0x90000046  }
0xb2: {  	s29 =	simm.s32 $0x9;
	_ =	strace $0x80000048  }
0xb3: {  	_ =	swait.ge [sflag:s29], $0x1  }
0xb4: {  	[sflag:s29] =	ssyncadd.s32 $0xFFFFFFFF  }
0xb5: {  	_ =	strace $0x90000048  }
0xb6: {  	_ =	sfence  }
0xb7: {  	s30 =	sld [smem:$0x0];
	_ =	sdelay $0x2  }
0xb8: {  	s31 =	sshll.u32 s1, $0xD;
	s1 =	sshrl.u32 s1, $0x2  }
0xb9: {  	s3 =	sand.u32 $0x4000, s31;
	s1 =	sadd.s32 s1, s30  }
0xba: {  	s0 =	sor.u32 s3, s0;
	s1 =	sshll.u32 s1, $0x11  }
0xbb: {  	s0 =	sor.u32 s1, s0  }
0xbc: {  	s0 =	sadd.s32 $0x8F2B, s0  }
0xbd: {  	[sflag:s0] =	ssyncadd.remote.s32 $0x1  }
0xbe: {  	_ =	sfence.sel $0xFFFF  }
0xbf: {  	[dreg:$0x0] =	wrdreg $0xFFFFFFFF;
	(pc) =	sbr.abs _section_cstart, $3  }
0xc0: {  	[dreg:$0x1] =	wrdreg $0xFFFFFFFF  }
0xc1: {  	_ =	task.clear_ibuf [dreg:s7], $0x2FFFF;
	_ =	strace $0x9FFFFFFF  }
0xc2: {  	(tm) =	ssettm $0x7FFFFFFF  }
0xc3: {  	_ =	shalt  }
tec
execute0_lowered:
.L_overlay_start_1:
0x0: {  	(tag) =	ssettag $0x1  }
0x1: {  	s3 =	rddreg [dreg:$0x0]  }
0x2: {  	s5 =	rddreg [dreg:$0x1]  }
0x3: {  	s2 =	srdreg.scid;
	s1 =	stileid.u32  }
0x4: {  	s0 =	rddreg [dreg:$0x2];
	s9 =	simm.s32 $0x100;
	s10 =	simm.s32 $0x0  }
0x5: {  	v0 =	vlaneseq.u32;
	s4 =	sand.u32 $0x1, s2;
	s6 =	sshll.u32 s1, $0x1;
	s2 =	simm.s32 $0x0  }
0x6: {  	v0 =	vmul.u32 $0x40, v0;
	s6 =	sor.u32 s4, s6;
	s4 =	ssub.s32 $0x2, s4;
	[smem:$0x7FF] =	sst s2  }
0x7: {  	s7 =	sshll.u32 s6, $0x4;
	s8 =	sshrl.u32 s4, $0x1;
	_ =	strace $0x80000047  }
0x8: {  	v1 =	vimm.f32 $0.0e+00;
	s6 =	sshll.u32 s6, $0xA;
	v2 =	vor.u32 $0x400, v0;
	s7 =	sadd.s32 s7, s3;
	s8 =	ssub.s32 s4, s8  }
0x9: {  	v3 =	vor.u32 $0x800, v0;
	v4 =	vor.u32 $0xC00, v0;
	v5 =	vor.u32 $0x1000, v0;
	s5 =	sadd.s32 s5, s6;
	s3 =	sadd.s32 $0x1200, s7;
	s4 =	sadd.s32 $0x1400, s7  }
0xa: {  	v6 =	vor.u32 $0x1400, v0;
	v7 =	vor.u32 $0x1800, v0;
	v8 =	vor.u32 $0x1C00, v0;
	s6 =	smax.u32 s8, $0x1;
	s7 =	simm.s32 $0x1;
	s8 =	simm.s32 $0x80  }
.LBB2_1:
0xb: {  	[tilespmem:s2], [sflag:$0x1] =	stream.linear.gather [hbm4b:s3+s2], $0x80, $0x38;
	[tilespmem:$0x2100] =	vst v63  }
0xc: {  	_ =	swait.ge [sflag:s7], $0x80  }
0xd: {  	[sflag:s7] =	ssyncset.done $0x0  }
0xe: {  	[sflag:s7] =	ssyncadd.s32 $0xFFFFFF80  }
0xf: {  	[tilespmem:s8], [sflag:$0x1] =	stream.linear.gather [hbm4b:s4+s2], $0x80, $0x38;
	[tilespmem:$0x2100] =	vst v63  }
0x10: {  	_ =	swait.ge [sflag:s7], $0x80  }
0x11: {  	[sflag:s7] =	ssyncset.done $0x0  }
0x12: {  	s11 =	simm.s32 $0x0;
	s12 =	simm.s32 $0x400;
	[sflag:s7] =	ssyncadd.s32 $0xFFFFFF80  }
.LBB2_2:
0x13: {  	p0 =	sne.s32 s12, $0x7C00;
	[tilespmem:s11+$0x1F0] =	vst v1  }
0x14: {  	[tilespmem:s11+$0x100] =	vst v1  }
0x15: {  	[tilespmem:s11+$0x110] =	vst v1  }
0x16: {  	[tilespmem:s11+$0x120] =	vst v1  }
0x17: {  	[tilespmem:s11+$0x130] =	vst v1  }
0x18: {  	[tilespmem:s11+$0x140] =	vst v1  }
0x19: {  	[tilespmem:s11+$0x150] =	vst v1  }
0x1a: {  	[tilespmem:s11+$0x160] =	vst v1  }
0x1b: {  	[tilespmem:s11+$0x170] =	vst v1  }
0x1c: {  	[tilespmem:s11+$0x180] =	vst v1  }
0x1d: {  	[tilespmem:s11+$0x190] =	vst v1  }
.Ltmp0:
0x1e: {  	[tilespmem:s11+$0x1A0] =	vst v1;
	(pc) =	sbr.rel @p0 .LBB2_2-.Ltmp0, $4  }
0x1f: {  	[tilespmem:s11+$0x1B0] =	vst v1  }
0x20: {  	[tilespmem:s11+$0x1C0] =	vst v1  }
0x21: {  	[tilespmem:s11+$0x1D0] =	vst v1  }
0x22: {  	[tilespmem:s11+$0x1E0] =	vst v1;
	s11 =	sshra.s32 s12, $0x2;
	s12 =	sadd.s32 $0x400, s12  }
0x23: {  	[tilespmem:s11+$0x1F0] =	vst v1  }
0x24: {  	[tilespmem:s11+$0x100] =	vst v1  }
0x25: {  	[tilespmem:s11+$0x110] =	vst v1  }
0x26: {  	[tilespmem:s11+$0x120] =	vst v1  }
0x27: {  	[tilespmem:s11+$0x130] =	vst v1  }
0x28: {  	[tilespmem:s11+$0x140] =	vst v1  }
0x29: {  	[tilespmem:s11+$0x150] =	vst v1  }
0x2a: {  	[tilespmem:s11+$0x160] =	vst v1  }
0x2b: {  	[tilespmem:s11+$0x170] =	vst v1  }
0x2c: {  	[tilespmem:s11+$0x180] =	vst v1  }
0x2d: {  	[tilespmem:s11+$0x190] =	vst v1  }
0x2e: {  	[tilespmem:s11+$0x1A0] =	vst v1  }
0x2f: {  	[tilespmem:s11+$0x1B0] =	vst v1  }
0x30: {  	[tilespmem:s11+$0x1C0] =	vst v1  }
0x31: {  	[tilespmem:s11+$0x1D0] =	vst v1  }
0x32: {  	[tilespmem:s11+$0x1E0] =	vst v1  }
0x33: {  	v9 =	vld [tilespmem:$0x80];
	_ =	sdelay $0x4  }
0x34: {  	v10 =	vld [tilespmem:$0x0];
	v9 =	vadd.s32 v0, v9;
	_ =	sdelay $0x4  }
0x35: {  	[tilespmem:v9+s9+$0x0] =	vst.idx.msk $0xffff, v10  }
0x36: {  	v9 =	vld [tilespmem:$0x90];
	_ =	sdelay $0x4  }
0x37: {  	v10 =	vld [tilespmem:$0x10];
	v9 =	vadd.s32 v2, v9;
	_ =	sdelay $0x4  }
0x38: {  	[tilespmem:v9+s9+$0x0] =	vst.idx.msk $0xffff, v10  }
0x39: {  	v9 =	vld [tilespmem:$0xA0];
	_ =	sdelay $0x4  }
0x3a: {  	v10 =	vld [tilespmem:$0x20];
	v9 =	vadd.s32 v3, v9;
	_ =	sdelay $0x4  }
0x3b: {  	[tilespmem:v9+s9+$0x0] =	vst.idx.msk $0xffff, v10  }
0x3c: {  	v9 =	vld [tilespmem:$0xB0];
	_ =	sdelay $0x4  }
0x3d: {  	v10 =	vld [tilespmem:$0x30];
	v9 =	vadd.s32 v4, v9;
	_ =	sdelay $0x4  }
0x3e: {  	[tilespmem:v9+s9+$0x0] =	vst.idx.msk $0xffff, v10  }
0x3f: {  	v9 =	vld [tilespmem:$0xC0];
	_ =	sdelay $0x4  }
0x40: {  	v10 =	vld [tilespmem:$0x40];
	v9 =	vadd.s32 v5, v9;
	_ =	sdelay $0x4  }
0x41: {  	[tilespmem:v9+s9+$0x0] =	vst.idx.msk $0xffff, v10  }
0x42: {  	v9 =	vld [tilespmem:$0xD0];
	_ =	sdelay $0x4  }
0x43: {  	v10 =	vld [tilespmem:$0x50];
	v9 =	vadd.s32 v6, v9;
	_ =	sdelay $0x4  }
0x44: {  	[tilespmem:v9+s9+$0x0] =	vst.idx.msk $0xffff, v10  }
0x45: {  	v9 =	vld [tilespmem:$0xE0];
	_ =	sdelay $0x4  }
0x46: {  	v10 =	vld [tilespmem:$0x60];
	v9 =	vadd.s32 v7, v9;
	_ =	sdelay $0x4  }
0x47: {  	[tilespmem:v9+s9+$0x0] =	vst.idx.msk $0xffff, v10  }
0x48: {  	v9 =	vld [tilespmem:$0xF0];
	_ =	sdelay $0x4  }
0x49: {  	v10 =	vld [tilespmem:$0x70];
	v9 =	vadd.s32 v8, v9;
	_ =	sdelay $0x2  }
0x4a: {  	s10 =	sadd.s32 $0x1, s10  }
0x4b: {  	p0 =	sne.s32 s10, s6  }
.Ltmp1:
0x4c: {  	[tilespmem:v9+s9+$0x0] =	vst.idx.msk $0xffff, v10;
	(pc) =	sbr.rel @p0 .LBB2_1-.Ltmp1, $4  }
0x4d: {  	[hbm4b:s5+s2] =	stream.linear.scatter [tilespmem:s9], [sflag:$0x1], $0x2000, $0x38;
	[tilespmem:$0x2100] =	vst v63  }
0x4e: {  	_ =	swait.ge [sflag:s7], $0x2000  }
0x4f: {  	[sflag:s7] =	ssyncset.done $0x0  }
0x50: {  	[sflag:s7] =	ssyncadd.s32 $0xFFFFE000  }
0x51: {  	_ =	sfence.sel $0x180000  }
0x52: {  	[bflag:$0x0] =	sbarrier.arrive $0xFFFF  }
0x53: {  	p0 =	sne.s32 s1, $0x0;
	_ =	strace $0x90000047  }
0x54: {  	s0 =	sadd.s32 @!p0 $0x100000, s0;
	[bflag:$0x2] =	sbarrier.arrive $0xFFFF  }
0x55: {  	[sflag:s0] =	ssyncadd.tile.s32 @!p0 $0x1;
	_ =	shalt  }
.Lfunc_end2:
_tile_overlayer_lowered:
.L_overlay_start_2:
0x56: {  	(tag) =	ssettag $0x2  }
0x57: {  	s0 =	rddreg [dreg:$0x0];
	s2 =	stileid.u32  }
0x58: {  	s1 =	rddreg [dreg:$0x1];
	p0 =	sne.s32 s2, $0x0  }
0x59: {  	s3 =	rddreg [dreg:$0x2];
	[bflag:$0x3] =	sbarrier.arrive $0xFFFF;
	s2 =	simm.s32 @!p0 $0x1C01  }
0x5a: {  	[timem:s3], [sflag:s2] =	dma.local @!p0 [hbm:s0], s1  }
0x5b: {  	s0 =	simm.s32 @!p0 $0x1  }
0x5c: {  	_ =	swait.ge @!p0 [sflag:s0], s1  }
0x5d: {  	s1 =	ssub.s32 @!p0 $0x0, s1;
	[sflag:s0] =	ssyncset.done @!p0 $0x0  }
0x5e: {  	[sflag:s0] =	ssyncadd.s32 @!p0 s1  }
0x5f: {  	[bflag:$0x3] =	sbarrier.arrive $0xFFFF  }
0x60: {  	_ =	shalt  }

</sc_bundles>
